<compile_context>
chip_gen: v7x
topology: tpu7x:2x2x1
jax: 0.10.2.dev20260603
libtpu: 0.0.44.dev20260713+nightly
codegen_flags: <defaults>
</compile_context>

<pallas_src>
import jax
import jax.numpy as jnp
from jax import lax
from jax.experimental import pallas as pl
from jax.experimental.pallas import tpu as pltpu
from jax.experimental.pallas import tpu_sc as plsc

B = 2_000_000
ZMAXPAD = 52
DIM = 64

NC = 2
NS = 16
NW = NC * NS

MACRO = 128
R = 4
LAG = 2
N_MACRO = 496
PER_W = N_MACRO * MACRO


def _body(species_hbm, table_hbm, out_hbm,
          idx0, idx1, idx2, idx3, rows0, rows1, rows2, rows3, table_sh,
          si0, si1, si2, si3, sg0, sg1, sg2, sg3, ss0, ss1, ss2, ss3):
    idx_b = (idx0, idx1, idx2, idx3)
    rows_b = (rows0, rows1, rows2, rows3)
    sem_i = (si0, si1, si2, si3)
    sem_g = (sg0, sg1, sg2, sg3)
    sem_s = (ss0, ss1, ss2, ss3)

    @pl.when(lax.axis_index("s") == 0)
    def _():
        pltpu.sync_copy(table_hbm, table_sh)

    plsc.subcore_barrier()

    wid = lax.axis_index("s") * NC + lax.axis_index("c")
    base = (wid * (B // NW + 4)) // 8 * 8
    base = jnp.minimum(base, B - PER_W)

    def start_idx(m, b):
        pltpu.async_copy(species_hbm.at[pl.ds(base + m * MACRO, MACRO)],
                         idx_b[b], sem_i[b])

    def wait_idx(b):
        pltpu.make_async_copy(species_hbm.at[pl.ds(0, MACRO)],
                              idx_b[b], sem_i[b]).wait()

    def start_gather(b):
        pltpu.async_copy(table_sh.at[idx_b[b]], rows_b[b], sem_g[b])

    def wait_gather(b):
        pltpu.make_async_copy(table_sh.at[idx_b[b]], rows_b[b],
                              sem_g[b]).wait()

    def start_store(m, b):
        pltpu.async_copy(rows_b[b],
                         out_hbm.at[pl.ds(base + m * MACRO, MACRO)],
                         sem_s[b])

    def wait_store(b):
        pltpu.make_async_copy(rows_b[b], out_hbm.at[pl.ds(0, MACRO)],
                              sem_s[b]).wait()

    for b in range(R):
        start_idx(b, b)

    def outer(o, _):
        for q in range(R):
            b = q
            m = R * o + q

            wait_idx(b)

            @pl.when(m >= R)
            def _():
                wait_store(b)

            start_gather(b)

            d = m - LAG
            bd = (q + R - LAG) % R

            @pl.when(m >= LAG)
            def _():
                wait_gather(bd)
                start_store(d, bd)

            @pl.when((m >= LAG) & (m + LAG < N_MACRO))
            def _():
                start_idx(m + LAG, bd)
        return _

    lax.fori_loop(0, N_MACRO // R, outer, None)

    for m in range(N_MACRO - LAG, N_MACRO):
        bd = m % R
        wait_gather(bd)
        start_store(m, bd)
    for b in range(R):
        wait_store(b)


@jax.jit
def _gather(species, table):
    kern = pl.kernel(
        _body,
        out_type=jax.ShapeDtypeStruct((B, DIM), jnp.float32),
        mesh=plsc.VectorSubcoreMesh(core_axis_name="c", subcore_axis_name="s"),
        scratch_types=[
            pltpu.VMEM((MACRO,), jnp.int32),
            pltpu.VMEM((MACRO,), jnp.int32),
            pltpu.VMEM((MACRO,), jnp.int32),
            pltpu.VMEM((MACRO,), jnp.int32),
            pltpu.VMEM((MACRO, DIM), jnp.float32),
            pltpu.VMEM((MACRO, DIM), jnp.float32),
            pltpu.VMEM((MACRO, DIM), jnp.float32),
            pltpu.VMEM((MACRO, DIM), jnp.float32),
            pltpu.VMEM_SHARED((ZMAXPAD, DIM), jnp.float32),
            pltpu.SemaphoreType.DMA,
            pltpu.SemaphoreType.DMA,
            pltpu.SemaphoreType.DMA,
            pltpu.SemaphoreType.DMA,
            pltpu.SemaphoreType.DMA,
            pltpu.SemaphoreType.DMA,
            pltpu.SemaphoreType.DMA,
            pltpu.SemaphoreType.DMA,
            pltpu.SemaphoreType.DMA,
            pltpu.SemaphoreType.DMA,
            pltpu.SemaphoreType.DMA,
            pltpu.SemaphoreType.DMA,
        ],
        compiler_params=pltpu.CompilerParams(use_tc_tiling_on_sc=True),
    )
    return kern(species, table)


def kernel(species, rand_encoding):
    return _gather(species, rand_encoding)

# --- scband reference (transcript-rebuilt; emitter-appended) ---
"""Pipeline reference for scband-species-encoding-12876311954154 (READ-ONLY COPY).

The authoritative reference and input builder live on the scoring server;
editing this copy changes nothing except your own understanding.
"""

import jax, jax.numpy as jnp
import numpy as np

ZMAX = 50
DIM = 64
ZMAXPAD = ZMAX + 2

def setup_inputs(seed: int = 0) -> dict:
    key = jax.random.key(seed)
    k_sp, k_enc = jax.random.split(key)
    species = jax.random.randint(k_sp, (2000000,), 0, 51, dtype=jnp.int64 if jax.config.jax_enable_x64 else jnp.int32)
    # 'random' encoding param: standardized normal, shape (zmaxpad, dim)
    rand_encoding = jax.nn.standardize(jax.random.normal(k_enc, (ZMAXPAD, DIM), dtype=jnp.float32))
    return {"species": species, "rand_encoding": rand_encoding}

def reference(species, rand_encoding):
    # conv_tensor is just the 'random' encoding table; forward is a gather
    conv_tensor = rand_encoding
    out = conv_tensor[species]
    return out

if __name__ == "__main__":
    import jax
    _d = setup_inputs()
    print(jax.jit(kernel)(*tuple(_d.values())))

</pallas_src>

<mosaic_0001>
#map = affine_map<(d0, d1) -> (0)>
#map1 = affine_map<(d0, d1) -> (0, 0)>
module attributes {stable_mosaic.version = 14 : i64} {
  func.func @_body(%arg0: i32, %arg1: i32, %arg2: memref<2000000xi32, #tpu.memory_space<hbm>>, %arg3: memref<52x64xf32, #tpu.memory_space<hbm>>, %arg4: memref<2000000x64xf32, #tpu.memory_space<hbm>>, %arg5: memref<128xi32, #tpu.memory_space<vmem>>, %arg6: memref<128xi32, #tpu.memory_space<vmem>>, %arg7: memref<128xi32, #tpu.memory_space<vmem>>, %arg8: memref<128xi32, #tpu.memory_space<vmem>>, %arg9: memref<128x64xf32, #tpu.memory_space<vmem>>, %arg10: memref<128x64xf32, #tpu.memory_space<vmem>>, %arg11: memref<128x64xf32, #tpu.memory_space<vmem>>, %arg12: memref<128x64xf32, #tpu.memory_space<vmem>>, %arg13: memref<52x64xf32, #tpu.memory_space<vmem_shared>>, %arg14: memref<!tpu.dma_semaphore, #tpu.memory_space<semaphore_mem>>, %arg15: memref<!tpu.dma_semaphore, #tpu.memory_space<semaphore_mem>>, %arg16: memref<!tpu.dma_semaphore, #tpu.memory_space<semaphore_mem>>, %arg17: memref<!tpu.dma_semaphore, #tpu.memory_space<semaphore_mem>>, %arg18: memref<!tpu.dma_semaphore, #tpu.memory_space<semaphore_mem>>, %arg19: memref<!tpu.dma_semaphore, #tpu.memory_space<semaphore_mem>>, %arg20: memref<!tpu.dma_semaphore, #tpu.memory_space<semaphore_mem>>, %arg21: memref<!tpu.dma_semaphore, #tpu.memory_space<semaphore_mem>>, %arg22: memref<!tpu.dma_semaphore, #tpu.memory_space<semaphore_mem>>, %arg23: memref<!tpu.dma_semaphore, #tpu.memory_space<semaphore_mem>>, %arg24: memref<!tpu.dma_semaphore, #tpu.memory_space<semaphore_mem>>, %arg25: memref<!tpu.dma_semaphore, #tpu.memory_space<semaphore_mem>>) attributes {dimension_semantics = [#tpu.dimension_semantics<core_parallel>, #tpu.dimension_semantics<subcore_parallel>], iteration_bounds = array<i64: 2, 16>, scalar_prefetch = 0 : i64, scratch_operands = 21 : i64, tpu.core_type = #tpu.core_type<sc_vector_subcore>, window_params = [{transform_indices = #map}, {transform_indices = #map1}, {transform_indices = #map1}]} {
    %eq3A = arith.constant 0 : i32
    %eq3A_0 = arith.cmpi eq, %arg1, %eq3A : i32
    %convert_element_type3A = arith.extui %eq3A_0 : i1 to i32
    %cond3A = arith.constant 0 : i32
    %cond3A_1 = arith.cmpi ne, %convert_element_type3A, %cond3A : i32
    scf.if %cond3A_1 {
      "tpu.region"() ({
        %run_scoped3A = tpu.sem_alloc : memref<!tpu.dma_semaphore, #tpu.memory_space<semaphore_mem>>
        tpu.enqueue_dma source(%arg3 : memref<52x64xf32, #tpu.memory_space<hbm>>) target(%arg13 : memref<52x64xf32, #tpu.memory_space<vmem_shared>>) target_semaphore(%run_scoped3A : memref<!tpu.dma_semaphore, #tpu.memory_space<semaphore_mem>>)
        tpu.wait_dma2 semaphore(%run_scoped3A : memref<!tpu.dma_semaphore, #tpu.memory_space<semaphore_mem>>) src(%arg3 : memref<52x64xf32, #tpu.memory_space<hbm>>) dst(%arg13 : memref<52x64xf32, #tpu.memory_space<vmem_shared>>)
        tpu.yield
      }) : () -> ()
    } else {
    }
    %barrier3A = arith.constant 0 : index
    tpu.barrier barrier_id(%barrier3A)
    %mul3A = arith.constant 2 : i32
    %mul3A_2 = arith.muli %arg1, %mul3A : i32
    %add3A = arith.addi %mul3A_2, %arg0 : i32
    %mul3A_3 = arith.constant 62504 : i32
    %mul3A_4 = arith.muli %add3A, %mul3A_3 : i32
    %jit3A = arith.constant 8 : i32
    %div3A = arith.divsi %mul3A_4, %jit3A : i32
    %sign3A = arith.constant 0 : i32
    %sign3A_5 = arith.cmpi sgt, %mul3A_4, %sign3A : i32
    %sign3A_6 = arith.extui %sign3A_5 : i1 to i32
    %sign3A_7 = arith.constant 0 : i32
    %sign3A_8 = arith.cmpi slt, %mul3A_4, %sign3A_7 : i32
    %sign3A_9 = arith.extui %sign3A_8 : i1 to i32
    %sign3A_10 = arith.subi %sign3A_6, %sign3A_9 : i32
    %sign3A_11 = arith.constant 0 : i32
    %sign3A_12 = arith.cmpi sgt, %jit3A, %sign3A_11 : i32
    %sign3A_13 = arith.extui %sign3A_12 : i1 to i32
    %sign3A_14 = arith.constant 0 : i32
    %sign3A_15 = arith.cmpi slt, %jit3A, %sign3A_14 : i32
    %sign3A_16 = arith.extui %sign3A_15 : i1 to i32
    %sign3A_17 = arith.subi %sign3A_13, %sign3A_16 : i32
    %ne3A = arith.cmpi ne, %sign3A_10, %sign3A_17 : i32
    %rem3A = arith.remsi %mul3A_4, %jit3A : i32
    %ne3A_18 = arith.constant 0 : i32
    %ne3A_19 = arith.cmpi ne, %rem3A, %ne3A_18 : i32
    %and3A = arith.andi %ne3A, %ne3A_19 : i1
    %sub3A = arith.constant 1 : i32
    %sub3A_20 = arith.subi %div3A, %sub3A : i32
    %select_n3A = arith.select %and3A, %sub3A_20, %div3A : i32
    %mul3A_21 = arith.constant 8 : i32
    %mul3A_22 = arith.muli %select_n3A, %mul3A_21 : i32
    %min3A = arith.constant 1936512 : i32
    %min3A_23 = arith.minsi %mul3A_22, %min3A : i32
    %add3A_24 = arith.constant 0 : i32
    %add3A_25 = arith.addi %min3A_23, %add3A_24 : i32
    %dma_start3A = tpu.memref_slice %arg2[%add3A_25] : memref<2000000xi32, #tpu.memory_space<hbm>> -> memref<128xi32, #tpu.memory_space<hbm>>
    %dma_start3A_26 = tpu.memref_slice %arg2[%add3A_25] : memref<2000000xi32, #tpu.memory_space<hbm>> -> memref<128xi32, #tpu.memory_space<hbm>>
    tpu.enqueue_dma source(%dma_start3A_26 : memref<128xi32, #tpu.memory_space<hbm>>) target(%arg5 : memref<128xi32, #tpu.memory_space<vmem>>) target_semaphore(%arg14 : memref<!tpu.dma_semaphore, #tpu.memory_space<semaphore_mem>>)
    %add3A_27 = arith.constant 128 : i32
    %add3A_28 = arith.addi %min3A_23, %add3A_27 : i32
    %dma_start3A_29 = tpu.memref_slice %arg2[%add3A_28] : memref<2000000xi32, #tpu.memory_space<hbm>> -> memref<128xi32, #tpu.memory_space<hbm>>
    %dma_start3A_30 = tpu.memref_slice %arg2[%add3A_28] : memref<2000000xi32, #tpu.memory_space<hbm>> -> memref<128xi32, #tpu.memory_space<hbm>>
    tpu.enqueue_dma source(%dma_start3A_30 : memref<128xi32, #tpu.memory_space<hbm>>) target(%arg6 : memref<128xi32, #tpu.memory_space<vmem>>) target_semaphore(%arg15 : memref<!tpu.dma_semaphore, #tpu.memory_space<semaphore_mem>>)
    %add3A_31 = arith.constant 256 : i32
    %add3A_32 = arith.addi %min3A_23, %add3A_31 : i32
    %dma_start3A_33 = tpu.memref_slice %arg2[%add3A_32] : memref<2000000xi32, #tpu.memory_space<hbm>> -> memref<128xi32, #tpu.memory_space<hbm>>
    %dma_start3A_34 = tpu.memref_slice %arg2[%add3A_32] : memref<2000000xi32, #tpu.memory_space<hbm>> -> memref<128xi32, #tpu.memory_space<hbm>>
    tpu.enqueue_dma source(%dma_start3A_34 : memref<128xi32, #tpu.memory_space<hbm>>) target(%arg7 : memref<128xi32, #tpu.memory_space<vmem>>) target_semaphore(%arg16 : memref<!tpu.dma_semaphore, #tpu.memory_space<semaphore_mem>>)
    %add3A_35 = arith.constant 384 : i32
    %add3A_36 = arith.addi %min3A_23, %add3A_35 : i32
    %dma_start3A_37 = tpu.memref_slice %arg2[%add3A_36] : memref<2000000xi32, #tpu.memory_space<hbm>> -> memref<128xi32, #tpu.memory_space<hbm>>
    %dma_start3A_38 = tpu.memref_slice %arg2[%add3A_36] : memref<2000000xi32, #tpu.memory_space<hbm>> -> memref<128xi32, #tpu.memory_space<hbm>>
    tpu.enqueue_dma source(%dma_start3A_38 : memref<128xi32, #tpu.memory_space<hbm>>) target(%arg8 : memref<128xi32, #tpu.memory_space<vmem>>) target_semaphore(%arg17 : memref<!tpu.dma_semaphore, #tpu.memory_space<semaphore_mem>>)
    %scan3A = arith.constant 0 : i32
    %scan3A_39 = arith.constant 124 : i32
    %scan3A_40 = arith.addi %scan3A, %scan3A_39 : i32
    %scan3A_41 = arith.constant 1 : i32
    scf.for %scan3A_84 = %scan3A to %scan3A_40 step %scan3A_41  : i32 {
      %mul3A_85 = arith.constant 4 : i32
      %mul3A_86 = arith.muli %mul3A_85, %scan3A_84 : i32
      %add3A_87 = arith.constant 0 : i32
      %add3A_88 = arith.addi %mul3A_86, %add3A_87 : i32
      %dma_wait3A_89 = arith.constant 0 : i32
      %dma_wait3A_90 = tpu.memref_slice %arg2[%dma_wait3A_89] : memref<2000000xi32, #tpu.memory_space<hbm>> -> memref<128xi32, #tpu.memory_space<hbm>>
      %dma_wait3A_91 = arith.constant 0 : i32
      %dma_wait3A_92 = tpu.memref_slice %arg2[%dma_wait3A_91] : memref<2000000xi32, #tpu.memory_space<hbm>> -> memref<128xi32, #tpu.memory_space<hbm>>
      tpu.wait_dma2 semaphore(%arg14 : memref<!tpu.dma_semaphore, #tpu.memory_space<semaphore_mem>>) src(%dma_wait3A_92 : memref<128xi32, #tpu.memory_space<hbm>>) dst(%arg5 : memref<128xi32, #tpu.memory_space<vmem>>)
      %ge3A = arith.constant 4 : i32
      %ge3A_93 = arith.cmpi sge, %add3A_88, %ge3A : i32
      %convert_element_type3A_94 = arith.extui %ge3A_93 : i1 to i32
      %cond3A_95 = arith.constant 0 : i32
      %cond3A_96 = arith.cmpi ne, %convert_element_type3A_94, %cond3A_95 : i32
      scf.if %cond3A_96 {
        %dma_wait3A_215 = arith.constant 0 : i32
        %dma_wait3A_216 = arith.constant 0 : i32
        %dma_wait3A_217 = tpu.memref_slice %arg4[%dma_wait3A_215, %dma_wait3A_216] : memref<2000000x64xf32, #tpu.memory_space<hbm>> -> memref<128x64xf32, #tpu.memory_space<hbm>>
        %dma_wait3A_218 = arith.constant 0 : i32
        %dma_wait3A_219 = arith.constant 0 : i32
        %dma_wait3A_220 = tpu.memref_slice %arg4[%dma_wait3A_218, %dma_wait3A_219] : memref<2000000x64xf32, #tpu.memory_space<hbm>> -> memref<128x64xf32, #tpu.memory_space<hbm>>
        tpu.wait_dma2 semaphore(%arg22 : memref<!tpu.dma_semaphore, #tpu.memory_space<semaphore_mem>>) src(%arg9 : memref<128x64xf32, #tpu.memory_space<vmem>>) dst(%dma_wait3A_220 : memref<128x64xf32, #tpu.memory_space<hbm>>)
      } else {
      }
      %dma_start3A_97 = arith.constant 0 : i32
      %dma_start3A_98 = arith.constant 0 : i32
      %dma_start3A_99 = tpu.memref_slice %arg13[%dma_start3A_97, %dma_start3A_98] : memref<52x64xf32, #tpu.memory_space<vmem_shared>> -> memref<52x64xf32, #tpu.memory_space<vmem_shared>>
      tpu.enqueue_indirect_dma source(%dma_start3A_99 : memref<52x64xf32, #tpu.memory_space<vmem_shared>>) target(%arg9 : memref<128x64xf32, #tpu.memory_space<vmem>>) offsets(%arg5 : memref<128xi32, #tpu.memory_space<vmem>>) semaphore(%arg18 : memref<!tpu.dma_semaphore, #tpu.memory_space<semaphore_mem>>)
      %sub3A_100 = arith.constant 2 : i32
      %sub3A_101 = arith.subi %add3A_88, %sub3A_100 : i32
      %ge3A_102 = arith.constant 2 : i32
      %ge3A_103 = arith.cmpi sge, %add3A_88, %ge3A_102 : i32
      %convert_element_type3A_104 = arith.extui %ge3A_103 : i1 to i32
      %cond3A_105 = arith.constant 0 : i32
      %cond3A_106 = arith.cmpi ne, %convert_element_type3A_104, %cond3A_105 : i32
      scf.if %cond3A_106 {
        %dma_wait3A_215 = arith.constant 0 : i32
        %dma_wait3A_216 = arith.constant 0 : i32
        %dma_wait3A_217 = tpu.memref_slice %arg13[%dma_wait3A_215, %dma_wait3A_216] : memref<52x64xf32, #tpu.memory_space<vmem_shared>> -> memref<52x64xf32, #tpu.memory_space<vmem_shared>>
        tpu.wait_indirect_dma semaphore(%arg20 : memref<!tpu.dma_semaphore, #tpu.memory_space<semaphore_mem>>) src(%dma_wait3A_217 : memref<52x64xf32, #tpu.memory_space<vmem_shared>>) dst(%arg11 : memref<128x64xf32, #tpu.memory_space<vmem>>)
        %mul3A_218 = arith.constant 128 : i32
        %mul3A_219 = arith.muli %sub3A_101, %mul3A_218 : i32
        %add3A_220 = arith.addi %min3A_23, %mul3A_219 : i32
        %dma_start3A_221 = arith.constant 0 : i32
        %dma_start3A_222 = tpu.memref_slice %arg4[%add3A_220, %dma_start3A_221] : memref<2000000x64xf32, #tpu.memory_space<hbm>> -> memref<128x64xf32, #tpu.memory_space<hbm>>
        %dma_start3A_223 = arith.constant 0 : i32
        %dma_start3A_224 = tpu.memref_slice %arg4[%add3A_220, %dma_start3A_223] : memref<2000000x64xf32, #tpu.memory_space<hbm>> -> memref<128x64xf32, #tpu.memory_space<hbm>>
        tpu.enqueue_dma source(%arg11 : memref<128x64xf32, #tpu.memory_space<vmem>>) target(%dma_start3A_224 : memref<128x64xf32, #tpu.memory_space<hbm>>) target_semaphore(%arg24 : memref<!tpu.dma_semaphore, #tpu.memory_space<semaphore_mem>>)
      } else {
      }
      %ge3A_107 = arith.constant 2 : i32
      %ge3A_108 = arith.cmpi sge, %add3A_88, %ge3A_107 : i32
      %add3A_109 = arith.constant 2 : i32
      %add3A_110 = arith.addi %add3A_88, %add3A_109 : i32
      %lt3A = arith.constant 496 : i32
      %lt3A_111 = arith.cmpi slt, %add3A_110, %lt3A : i32
      %and3A_112 = arith.andi %ge3A_108, %lt3A_111 : i1
      %convert_element_type3A_113 = arith.extui %and3A_112 : i1 to i32
      %cond3A_114 = arith.constant 0 : i32
      %cond3A_115 = arith.cmpi ne, %convert_element_type3A_113, %cond3A_114 : i32
      scf.if %cond3A_115 {
        %add3A_215 = arith.constant 2 : i32
        %add3A_216 = arith.addi %add3A_88, %add3A_215 : i32
        %mul3A_217 = arith.constant 128 : i32
        %mul3A_218 = arith.muli %add3A_216, %mul3A_217 : i32
        %add3A_219 = arith.addi %min3A_23, %mul3A_218 : i32
        %dma_start3A_220 = tpu.memref_slice %arg2[%add3A_219] : memref<2000000xi32, #tpu.memory_space<hbm>> -> memref<128xi32, #tpu.memory_space<hbm>>
        %dma_start3A_221 = tpu.memref_slice %arg2[%add3A_219] : memref<2000000xi32, #tpu.memory_space<hbm>> -> memref<128xi32, #tpu.memory_space<hbm>>
        tpu.enqueue_dma source(%dma_start3A_221 : memref<128xi32, #tpu.memory_space<hbm>>) target(%arg7 : memref<128xi32, #tpu.memory_space<vmem>>) target_semaphore(%arg16 : memref<!tpu.dma_semaphore, #tpu.memory_space<semaphore_mem>>)
      } else {
      }
      %mul3A_116 = arith.constant 4 : i32
      %mul3A_117 = arith.muli %mul3A_116, %scan3A_84 : i32
      %add3A_118 = arith.constant 1 : i32
      %add3A_119 = arith.addi %mul3A_117, %add3A_118 : i32
      %dma_wait3A_120 = arith.constant 0 : i32
      %dma_wait3A_121 = tpu.memref_slice %arg2[%dma_wait3A_120] : memref<2000000xi32, #tpu.memory_space<hbm>> -> memref<128xi32, #tpu.memory_space<hbm>>
      %dma_wait3A_122 = arith.constant 0 : i32
      %dma_wait3A_123 = tpu.memref_slice %arg2[%dma_wait3A_122] : memref<2000000xi32, #tpu.memory_space<hbm>> -> memref<128xi32, #tpu.memory_space<hbm>>
      tpu.wait_dma2 semaphore(%arg15 : memref<!tpu.dma_semaphore, #tpu.memory_space<semaphore_mem>>) src(%dma_wait3A_123 : memref<128xi32, #tpu.memory_space<hbm>>) dst(%arg6 : memref<128xi32, #tpu.memory_space<vmem>>)
      %ge3A_124 = arith.constant 4 : i32
      %ge3A_125 = arith.cmpi sge, %add3A_119, %ge3A_124 : i32
      %convert_element_type3A_126 = arith.extui %ge3A_125 : i1 to i32
      %cond3A_127 = arith.constant 0 : i32
      %cond3A_128 = arith.cmpi ne, %convert_element_type3A_126, %cond3A_127 : i32
      scf.if %cond3A_128 {
        %dma_wait3A_215 = arith.constant 0 : i32
        %dma_wait3A_216 = arith.constant 0 : i32
        %dma_wait3A_217 = tpu.memref_slice %arg4[%dma_wait3A_215, %dma_wait3A_216] : memref<2000000x64xf32, #tpu.memory_space<hbm>> -> memref<128x64xf32, #tpu.memory_space<hbm>>
        %dma_wait3A_218 = arith.constant 0 : i32
        %dma_wait3A_219 = arith.constant 0 : i32
        %dma_wait3A_220 = tpu.memref_slice %arg4[%dma_wait3A_218, %dma_wait3A_219] : memref<2000000x64xf32, #tpu.memory_space<hbm>> -> memref<128x64xf32, #tpu.memory_space<hbm>>
        tpu.wait_dma2 semaphore(%arg23 : memref<!tpu.dma_semaphore, #tpu.memory_space<semaphore_mem>>) src(%arg10 : memref<128x64xf32, #tpu.memory_space<vmem>>) dst(%dma_wait3A_220 : memref<128x64xf32, #tpu.memory_space<hbm>>)
      } else {
      }
      %dma_start3A_129 = arith.constant 0 : i32
      %dma_start3A_130 = arith.constant 0 : i32
      %dma_start3A_131 = tpu.memref_slice %arg13[%dma_start3A_129, %dma_start3A_130] : memref<52x64xf32, #tpu.memory_space<vmem_shared>> -> memref<52x64xf32, #tpu.memory_space<vmem_shared>>
      tpu.enqueue_indirect_dma source(%dma_start3A_131 : memref<52x64xf32, #tpu.memory_space<vmem_shared>>) target(%arg10 : memref<128x64xf32, #tpu.memory_space<vmem>>) offsets(%arg6 : memref<128xi32, #tpu.memory_space<vmem>>) semaphore(%arg19 : memref<!tpu.dma_semaphore, #tpu.memory_space<semaphore_mem>>)
      %sub3A_132 = arith.constant 2 : i32
      %sub3A_133 = arith.subi %add3A_119, %sub3A_132 : i32
      %ge3A_134 = arith.constant 2 : i32
      %ge3A_135 = arith.cmpi sge, %add3A_119, %ge3A_134 : i32
      %convert_element_type3A_136 = arith.extui %ge3A_135 : i1 to i32
      %cond3A_137 = arith.constant 0 : i32
      %cond3A_138 = arith.cmpi ne, %convert_element_type3A_136, %cond3A_137 : i32
      scf.if %cond3A_138 {
        %dma_wait3A_215 = arith.constant 0 : i32
        %dma_wait3A_216 = arith.constant 0 : i32
        %dma_wait3A_217 = tpu.memref_slice %arg13[%dma_wait3A_215, %dma_wait3A_216] : memref<52x64xf32, #tpu.memory_space<vmem_shared>> -> memref<52x64xf32, #tpu.memory_space<vmem_shared>>
        tpu.wait_indirect_dma semaphore(%arg21 : memref<!tpu.dma_semaphore, #tpu.memory_space<semaphore_mem>>) src(%dma_wait3A_217 : memref<52x64xf32, #tpu.memory_space<vmem_shared>>) dst(%arg12 : memref<128x64xf32, #tpu.memory_space<vmem>>)
        %mul3A_218 = arith.constant 128 : i32
        %mul3A_219 = arith.muli %sub3A_133, %mul3A_218 : i32
        %add3A_220 = arith.addi %min3A_23, %mul3A_219 : i32
        %dma_start3A_221 = arith.constant 0 : i32
        %dma_start3A_222 = tpu.memref_slice %arg4[%add3A_220, %dma_start3A_221] : memref<2000000x64xf32, #tpu.memory_space<hbm>> -> memref<128x64xf32, #tpu.memory_space<hbm>>
        %dma_start3A_223 = arith.constant 0 : i32
        %dma_start3A_224 = tpu.memref_slice %arg4[%add3A_220, %dma_start3A_223] : memref<2000000x64xf32, #tpu.memory_space<hbm>> -> memref<128x64xf32, #tpu.memory_space<hbm>>
        tpu.enqueue_dma source(%arg12 : memref<128x64xf32, #tpu.memory_space<vmem>>) target(%dma_start3A_224 : memref<128x64xf32, #tpu.memory_space<hbm>>) target_semaphore(%arg25 : memref<!tpu.dma_semaphore, #tpu.memory_space<semaphore_mem>>)
      } else {
      }
      %ge3A_139 = arith.constant 2 : i32
      %ge3A_140 = arith.cmpi sge, %add3A_119, %ge3A_139 : i32
      %add3A_141 = arith.constant 2 : i32
      %add3A_142 = arith.addi %add3A_119, %add3A_141 : i32
      %lt3A_143 = arith.constant 496 : i32
      %lt3A_144 = arith.cmpi slt, %add3A_142, %lt3A_143 : i32
      %and3A_145 = arith.andi %ge3A_140, %lt3A_144 : i1
      %convert_element_type3A_146 = arith.extui %and3A_145 : i1 to i32
      %cond3A_147 = arith.constant 0 : i32
      %cond3A_148 = arith.cmpi ne, %convert_element_type3A_146, %cond3A_147 : i32
      scf.if %cond3A_148 {
        %add3A_215 = arith.constant 2 : i32
        %add3A_216 = arith.addi %add3A_119, %add3A_215 : i32
        %mul3A_217 = arith.constant 128 : i32
        %mul3A_218 = arith.muli %add3A_216, %mul3A_217 : i32
        %add3A_219 = arith.addi %min3A_23, %mul3A_218 : i32
        %dma_start3A_220 = tpu.memref_slice %arg2[%add3A_219] : memref<2000000xi32, #tpu.memory_space<hbm>> -> memref<128xi32, #tpu.memory_space<hbm>>
        %dma_start3A_221 = tpu.memref_slice %arg2[%add3A_219] : memref<2000000xi32, #tpu.memory_space<hbm>> -> memref<128xi32, #tpu.memory_space<hbm>>
        tpu.enqueue_dma source(%dma_start3A_221 : memref<128xi32, #tpu.memory_space<hbm>>) target(%arg8 : memref<128xi32, #tpu.memory_space<vmem>>) target_semaphore(%arg17 : memref<!tpu.dma_semaphore, #tpu.memory_space<semaphore_mem>>)
      } else {
      }
      %mul3A_149 = arith.constant 4 : i32
      %mul3A_150 = arith.muli %mul3A_149, %scan3A_84 : i32
      %add3A_151 = arith.constant 2 : i32
      %add3A_152 = arith.addi %mul3A_150, %add3A_151 : i32
      %dma_wait3A_153 = arith.constant 0 : i32
      %dma_wait3A_154 = tpu.memref_slice %arg2[%dma_wait3A_153] : memref<2000000xi32, #tpu.memory_space<hbm>> -> memref<128xi32, #tpu.memory_space<hbm>>
      %dma_wait3A_155 = arith.constant 0 : i32
      %dma_wait3A_156 = tpu.memref_slice %arg2[%dma_wait3A_155] : memref<2000000xi32, #tpu.memory_space<hbm>> -> memref<128xi32, #tpu.memory_space<hbm>>
      tpu.wait_dma2 semaphore(%arg16 : memref<!tpu.dma_semaphore, #tpu.memory_space<semaphore_mem>>) src(%dma_wait3A_156 : memref<128xi32, #tpu.memory_space<hbm>>) dst(%arg7 : memref<128xi32, #tpu.memory_space<vmem>>)
      %ge3A_157 = arith.constant 4 : i32
      %ge3A_158 = arith.cmpi sge, %add3A_152, %ge3A_157 : i32
      %convert_element_type3A_159 = arith.extui %ge3A_158 : i1 to i32
      %cond3A_160 = arith.constant 0 : i32
      %cond3A_161 = arith.cmpi ne, %convert_element_type3A_159, %cond3A_160 : i32
      scf.if %cond3A_161 {
        %dma_wait3A_215 = arith.constant 0 : i32
        %dma_wait3A_216 = arith.constant 0 : i32
        %dma_wait3A_217 = tpu.memref_slice %arg4[%dma_wait3A_215, %dma_wait3A_216] : memref<2000000x64xf32, #tpu.memory_space<hbm>> -> memref<128x64xf32, #tpu.memory_space<hbm>>
        %dma_wait3A_218 = arith.constant 0 : i32
        %dma_wait3A_219 = arith.constant 0 : i32
        %dma_wait3A_220 = tpu.memref_slice %arg4[%dma_wait3A_218, %dma_wait3A_219] : memref<2000000x64xf32, #tpu.memory_space<hbm>> -> memref<128x64xf32, #tpu.memory_space<hbm>>
        tpu.wait_dma2 semaphore(%arg24 : memref<!tpu.dma_semaphore, #tpu.memory_space<semaphore_mem>>) src(%arg11 : memref<128x64xf32, #tpu.memory_space<vmem>>) dst(%dma_wait3A_220 : memref<128x64xf32, #tpu.memory_space<hbm>>)
      } else {
      }
      %dma_start3A_162 = arith.constant 0 : i32
      %dma_start3A_163 = arith.constant 0 : i32
      %dma_start3A_164 = tpu.memref_slice %arg13[%dma_start3A_162, %dma_start3A_163] : memref<52x64xf32, #tpu.memory_space<vmem_shared>> -> memref<52x64xf32, #tpu.memory_space<vmem_shared>>
      tpu.enqueue_indirect_dma source(%dma_start3A_164 : memref<52x64xf32, #tpu.memory_space<vmem_shared>>) target(%arg11 : memref<128x64xf32, #tpu.memory_space<vmem>>) offsets(%arg7 : memref<128xi32, #tpu.memory_space<vmem>>) semaphore(%arg20 : memref<!tpu.dma_semaphore, #tpu.memory_space<semaphore_mem>>)
      %sub3A_165 = arith.constant 2 : i32
      %sub3A_166 = arith.subi %add3A_152, %sub3A_165 : i32
      %ge3A_167 = arith.constant 2 : i32
      %ge3A_168 = arith.cmpi sge, %add3A_152, %ge3A_167 : i32
      %convert_element_type3A_169 = arith.extui %ge3A_168 : i1 to i32
      %cond3A_170 = arith.constant 0 : i32
      %cond3A_171 = arith.cmpi ne, %convert_element_type3A_169, %cond3A_170 : i32
      scf.if %cond3A_171 {
        %dma_wait3A_215 = arith.constant 0 : i32
        %dma_wait3A_216 = arith.constant 0 : i32
        %dma_wait3A_217 = tpu.memref_slice %arg13[%dma_wait3A_215, %dma_wait3A_216] : memref<52x64xf32, #tpu.memory_space<vmem_shared>> -> memref<52x64xf32, #tpu.memory_space<vmem_shared>>
        tpu.wait_indirect_dma semaphore(%arg18 : memref<!tpu.dma_semaphore, #tpu.memory_space<semaphore_mem>>) src(%dma_wait3A_217 : memref<52x64xf32, #tpu.memory_space<vmem_shared>>) dst(%arg9 : memref<128x64xf32, #tpu.memory_space<vmem>>)
        %mul3A_218 = arith.constant 128 : i32
        %mul3A_219 = arith.muli %sub3A_166, %mul3A_218 : i32
        %add3A_220 = arith.addi %min3A_23, %mul3A_219 : i32
        %dma_start3A_221 = arith.constant 0 : i32
        %dma_start3A_222 = tpu.memref_slice %arg4[%add3A_220, %dma_start3A_221] : memref<2000000x64xf32, #tpu.memory_space<hbm>> -> memref<128x64xf32, #tpu.memory_space<hbm>>
        %dma_start3A_223 = arith.constant 0 : i32
        %dma_start3A_224 = tpu.memref_slice %arg4[%add3A_220, %dma_start3A_223] : memref<2000000x64xf32, #tpu.memory_space<hbm>> -> memref<128x64xf32, #tpu.memory_space<hbm>>
        tpu.enqueue_dma source(%arg9 : memref<128x64xf32, #tpu.memory_space<vmem>>) target(%dma_start3A_224 : memref<128x64xf32, #tpu.memory_space<hbm>>) target_semaphore(%arg22 : memref<!tpu.dma_semaphore, #tpu.memory_space<semaphore_mem>>)
      } else {
      }
      %ge3A_172 = arith.constant 2 : i32
      %ge3A_173 = arith.cmpi sge, %add3A_152, %ge3A_172 : i32
      %add3A_174 = arith.constant 2 : i32
      %add3A_175 = arith.addi %add3A_152, %add3A_174 : i32
      %lt3A_176 = arith.constant 496 : i32
      %lt3A_177 = arith.cmpi slt, %add3A_175, %lt3A_176 : i32
      %and3A_178 = arith.andi %ge3A_173, %lt3A_177 : i1
      %convert_element_type3A_179 = arith.extui %and3A_178 : i1 to i32
      %cond3A_180 = arith.constant 0 : i32
      %cond3A_181 = arith.cmpi ne, %convert_element_type3A_179, %cond3A_180 : i32
      scf.if %cond3A_181 {
        %add3A_215 = arith.constant 2 : i32
        %add3A_216 = arith.addi %add3A_152, %add3A_215 : i32
        %mul3A_217 = arith.constant 128 : i32
        %mul3A_218 = arith.muli %add3A_216, %mul3A_217 : i32
        %add3A_219 = arith.addi %min3A_23, %mul3A_218 : i32
        %dma_start3A_220 = tpu.memref_slice %arg2[%add3A_219] : memref<2000000xi32, #tpu.memory_space<hbm>> -> memref<128xi32, #tpu.memory_space<hbm>>
        %dma_start3A_221 = tpu.memref_slice %arg2[%add3A_219] : memref<2000000xi32, #tpu.memory_space<hbm>> -> memref<128xi32, #tpu.memory_space<hbm>>
        tpu.enqueue_dma source(%dma_start3A_221 : memref<128xi32, #tpu.memory_space<hbm>>) target(%arg5 : memref<128xi32, #tpu.memory_space<vmem>>) target_semaphore(%arg14 : memref<!tpu.dma_semaphore, #tpu.memory_space<semaphore_mem>>)
      } else {
      }
      %mul3A_182 = arith.constant 4 : i32
      %mul3A_183 = arith.muli %mul3A_182, %scan3A_84 : i32
      %add3A_184 = arith.constant 3 : i32
      %add3A_185 = arith.addi %mul3A_183, %add3A_184 : i32
      %dma_wait3A_186 = arith.constant 0 : i32
      %dma_wait3A_187 = tpu.memref_slice %arg2[%dma_wait3A_186] : memref<2000000xi32, #tpu.memory_space<hbm>> -> memref<128xi32, #tpu.memory_space<hbm>>
      %dma_wait3A_188 = arith.constant 0 : i32
      %dma_wait3A_189 = tpu.memref_slice %arg2[%dma_wait3A_188] : memref<2000000xi32, #tpu.memory_space<hbm>> -> memref<128xi32, #tpu.memory_space<hbm>>
      tpu.wait_dma2 semaphore(%arg17 : memref<!tpu.dma_semaphore, #tpu.memory_space<semaphore_mem>>) src(%dma_wait3A_189 : memref<128xi32, #tpu.memory_space<hbm>>) dst(%arg8 : memref<128xi32, #tpu.memory_space<vmem>>)
      %ge3A_190 = arith.constant 4 : i32
      %ge3A_191 = arith.cmpi sge, %add3A_185, %ge3A_190 : i32
      %convert_element_type3A_192 = arith.extui %ge3A_191 : i1 to i32
      %cond3A_193 = arith.constant 0 : i32
      %cond3A_194 = arith.cmpi ne, %convert_element_type3A_192, %cond3A_193 : i32
      scf.if %cond3A_194 {
        %dma_wait3A_215 = arith.constant 0 : i32
        %dma_wait3A_216 = arith.constant 0 : i32
        %dma_wait3A_217 = tpu.memref_slice %arg4[%dma_wait3A_215, %dma_wait3A_216] : memref<2000000x64xf32, #tpu.memory_space<hbm>> -> memref<128x64xf32, #tpu.memory_space<hbm>>
        %dma_wait3A_218 = arith.constant 0 : i32
        %dma_wait3A_219 = arith.constant 0 : i32
        %dma_wait3A_220 = tpu.memref_slice %arg4[%dma_wait3A_218, %dma_wait3A_219] : memref<2000000x64xf32, #tpu.memory_space<hbm>> -> memref<128x64xf32, #tpu.memory_space<hbm>>
        tpu.wait_dma2 semaphore(%arg25 : memref<!tpu.dma_semaphore, #tpu.memory_space<semaphore_mem>>) src(%arg12 : memref<128x64xf32, #tpu.memory_space<vmem>>) dst(%dma_wait3A_220 : memref<128x64xf32, #tpu.memory_space<hbm>>)
      } else {
      }
      %dma_start3A_195 = arith.constant 0 : i32
      %dma_start3A_196 = arith.constant 0 : i32
      %dma_start3A_197 = tpu.memref_slice %arg13[%dma_start3A_195, %dma_start3A_196] : memref<52x64xf32, #tpu.memory_space<vmem_shared>> -> memref<52x64xf32, #tpu.memory_space<vmem_shared>>
      tpu.enqueue_indirect_dma source(%dma_start3A_197 : memref<52x64xf32, #tpu.memory_space<vmem_shared>>) target(%arg12 : memref<128x64xf32, #tpu.memory_space<vmem>>) offsets(%arg8 : memref<128xi32, #tpu.memory_space<vmem>>) semaphore(%arg21 : memref<!tpu.dma_semaphore, #tpu.memory_space<semaphore_mem>>)
      %sub3A_198 = arith.constant 2 : i32
      %sub3A_199 = arith.subi %add3A_185, %sub3A_198 : i32
      %ge3A_200 = arith.constant 2 : i32
      %ge3A_201 = arith.cmpi sge, %add3A_185, %ge3A_200 : i32
      %convert_element_type3A_202 = arith.extui %ge3A_201 : i1 to i32
      %cond3A_203 = arith.constant 0 : i32
      %cond3A_204 = arith.cmpi ne, %convert_element_type3A_202, %cond3A_203 : i32
      scf.if %cond3A_204 {
        %dma_wait3A_215 = arith.constant 0 : i32
        %dma_wait3A_216 = arith.constant 0 : i32
        %dma_wait3A_217 = tpu.memref_slice %arg13[%dma_wait3A_215, %dma_wait3A_216] : memref<52x64xf32, #tpu.memory_space<vmem_shared>> -> memref<52x64xf32, #tpu.memory_space<vmem_shared>>
        tpu.wait_indirect_dma semaphore(%arg19 : memref<!tpu.dma_semaphore, #tpu.memory_space<semaphore_mem>>) src(%dma_wait3A_217 : memref<52x64xf32, #tpu.memory_space<vmem_shared>>) dst(%arg10 : memref<128x64xf32, #tpu.memory_space<vmem>>)
        %mul3A_218 = arith.constant 128 : i32
        %mul3A_219 = arith.muli %sub3A_199, %mul3A_218 : i32
        %add3A_220 = arith.addi %min3A_23, %mul3A_219 : i32
        %dma_start3A_221 = arith.constant 0 : i32
        %dma_start3A_222 = tpu.memref_slice %arg4[%add3A_220, %dma_start3A_221] : memref<2000000x64xf32, #tpu.memory_space<hbm>> -> memref<128x64xf32, #tpu.memory_space<hbm>>
        %dma_start3A_223 = arith.constant 0 : i32
        %dma_start3A_224 = tpu.memref_slice %arg4[%add3A_220, %dma_start3A_223] : memref<2000000x64xf32, #tpu.memory_space<hbm>> -> memref<128x64xf32, #tpu.memory_space<hbm>>
        tpu.enqueue_dma source(%arg10 : memref<128x64xf32, #tpu.memory_space<vmem>>) target(%dma_start3A_224 : memref<128x64xf32, #tpu.memory_space<hbm>>) target_semaphore(%arg23 : memref<!tpu.dma_semaphore, #tpu.memory_space<semaphore_mem>>)
      } else {
      }
      %ge3A_205 = arith.constant 2 : i32
      %ge3A_206 = arith.cmpi sge, %add3A_185, %ge3A_205 : i32
      %add3A_207 = arith.constant 2 : i32
      %add3A_208 = arith.addi %add3A_185, %add3A_207 : i32
      %lt3A_209 = arith.constant 496 : i32
      %lt3A_210 = arith.cmpi slt, %add3A_208, %lt3A_209 : i32
      %and3A_211 = arith.andi %ge3A_206, %lt3A_210 : i1
      %convert_element_type3A_212 = arith.extui %and3A_211 : i1 to i32
      %cond3A_213 = arith.constant 0 : i32
      %cond3A_214 = arith.cmpi ne, %convert_element_type3A_212, %cond3A_213 : i32
      scf.if %cond3A_214 {
        %add3A_215 = arith.constant 2 : i32
        %add3A_216 = arith.addi %add3A_185, %add3A_215 : i32
        %mul3A_217 = arith.constant 128 : i32
        %mul3A_218 = arith.muli %add3A_216, %mul3A_217 : i32
        %add3A_219 = arith.addi %min3A_23, %mul3A_218 : i32
        %dma_start3A_220 = tpu.memref_slice %arg2[%add3A_219] : memref<2000000xi32, #tpu.memory_space<hbm>> -> memref<128xi32, #tpu.memory_space<hbm>>
        %dma_start3A_221 = tpu.memref_slice %arg2[%add3A_219] : memref<2000000xi32, #tpu.memory_space<hbm>> -> memref<128xi32, #tpu.memory_space<hbm>>
        tpu.enqueue_dma source(%dma_start3A_221 : memref<128xi32, #tpu.memory_space<hbm>>) target(%arg6 : memref<128xi32, #tpu.memory_space<vmem>>) target_semaphore(%arg15 : memref<!tpu.dma_semaphore, #tpu.memory_space<semaphore_mem>>)
      } else {
      }
    }
    %scan3A_42 = arith.constant 124 : i32
    %dma_wait3A = arith.constant 0 : i32
    %dma_wait3A_43 = arith.constant 0 : i32
    %dma_wait3A_44 = tpu.memref_slice %arg13[%dma_wait3A, %dma_wait3A_43] : memref<52x64xf32, #tpu.memory_space<vmem_shared>> -> memref<52x64xf32, #tpu.memory_space<vmem_shared>>
    tpu.wait_indirect_dma semaphore(%arg20 : memref<!tpu.dma_semaphore, #tpu.memory_space<semaphore_mem>>) src(%dma_wait3A_44 : memref<52x64xf32, #tpu.memory_space<vmem_shared>>) dst(%arg11 : memref<128x64xf32, #tpu.memory_space<vmem>>)
    %add3A_45 = arith.constant 63232 : i32
    %add3A_46 = arith.addi %min3A_23, %add3A_45 : i32
    %dma_start3A_47 = arith.constant 0 : i32
    %dma_start3A_48 = tpu.memref_slice %arg4[%add3A_46, %dma_start3A_47] : memref<2000000x64xf32, #tpu.memory_space<hbm>> -> memref<128x64xf32, #tpu.memory_space<hbm>>
    %dma_start3A_49 = arith.constant 0 : i32
    %dma_start3A_50 = tpu.memref_slice %arg4[%add3A_46, %dma_start3A_49] : memref<2000000x64xf32, #tpu.memory_space<hbm>> -> memref<128x64xf32, #tpu.memory_space<hbm>>
    tpu.enqueue_dma source(%arg11 : memref<128x64xf32, #tpu.memory_space<vmem>>) target(%dma_start3A_50 : memref<128x64xf32, #tpu.memory_space<hbm>>) target_semaphore(%arg24 : memref<!tpu.dma_semaphore, #tpu.memory_space<semaphore_mem>>)
    %dma_wait3A_51 = arith.constant 0 : i32
    %dma_wait3A_52 = arith.constant 0 : i32
    %dma_wait3A_53 = tpu.memref_slice %arg13[%dma_wait3A_51, %dma_wait3A_52] : memref<52x64xf32, #tpu.memory_space<vmem_shared>> -> memref<52x64xf32, #tpu.memory_space<vmem_shared>>
    tpu.wait_indirect_dma semaphore(%arg21 : memref<!tpu.dma_semaphore, #tpu.memory_space<semaphore_mem>>) src(%dma_wait3A_53 : memref<52x64xf32, #tpu.memory_space<vmem_shared>>) dst(%arg12 : memref<128x64xf32, #tpu.memory_space<vmem>>)
    %add3A_54 = arith.constant 63360 : i32
    %add3A_55 = arith.addi %min3A_23, %add3A_54 : i32
    %dma_start3A_56 = arith.constant 0 : i32
    %dma_start3A_57 = tpu.memref_slice %arg4[%add3A_55, %dma_start3A_56] : memref<2000000x64xf32, #tpu.memory_space<hbm>> -> memref<128x64xf32, #tpu.memory_space<hbm>>
    %dma_start3A_58 = arith.constant 0 : i32
    %dma_start3A_59 = tpu.memref_slice %arg4[%add3A_55, %dma_start3A_58] : memref<2000000x64xf32, #tpu.memory_space<hbm>> -> memref<128x64xf32, #tpu.memory_space<hbm>>
    tpu.enqueue_dma source(%arg12 : memref<128x64xf32, #tpu.memory_space<vmem>>) target(%dma_start3A_59 : memref<128x64xf32, #tpu.memory_space<hbm>>) target_semaphore(%arg25 : memref<!tpu.dma_semaphore, #tpu.memory_space<semaphore_mem>>)
    %dma_wait3A_60 = arith.constant 0 : i32
    %dma_wait3A_61 = arith.constant 0 : i32
    %dma_wait3A_62 = tpu.memref_slice %arg4[%dma_wait3A_60, %dma_wait3A_61] : memref<2000000x64xf32, #tpu.memory_space<hbm>> -> memref<128x64xf32, #tpu.memory_space<hbm>>
    %dma_wait3A_63 = arith.constant 0 : i32
    %dma_wait3A_64 = arith.constant 0 : i32
    %dma_wait3A_65 = tpu.memref_slice %arg4[%dma_wait3A_63, %dma_wait3A_64] : memref<2000000x64xf32, #tpu.memory_space<hbm>> -> memref<128x64xf32, #tpu.memory_space<hbm>>
    tpu.wait_dma2 semaphore(%arg22 : memref<!tpu.dma_semaphore, #tpu.memory_space<semaphore_mem>>) src(%arg9 : memref<128x64xf32, #tpu.memory_space<vmem>>) dst(%dma_wait3A_65 : memref<128x64xf32, #tpu.memory_space<hbm>>)
    %dma_wait3A_66 = arith.constant 0 : i32
    %dma_wait3A_67 = arith.constant 0 : i32
    %dma_wait3A_68 = tpu.memref_slice %arg4[%dma_wait3A_66, %dma_wait3A_67] : memref<2000000x64xf32, #tpu.memory_space<hbm>> -> memref<128x64xf32, #tpu.memory_space<hbm>>
    %dma_wait3A_69 = arith.constant 0 : i32
    %dma_wait3A_70 = arith.constant 0 : i32
    %dma_wait3A_71 = tpu.memref_slice %arg4[%dma_wait3A_69, %dma_wait3A_70] : memref<2000000x64xf32, #tpu.memory_space<hbm>> -> memref<128x64xf32, #tpu.memory_space<hbm>>
    tpu.wait_dma2 semaphore(%arg23 : memref<!tpu.dma_semaphore, #tpu.memory_space<semaphore_mem>>) src(%arg10 : memref<128x64xf32, #tpu.memory_space<vmem>>) dst(%dma_wait3A_71 : memref<128x64xf32, #tpu.memory_space<hbm>>)
    %dma_wait3A_72 = arith.constant 0 : i32
    %dma_wait3A_73 = arith.constant 0 : i32
    %dma_wait3A_74 = tpu.memref_slice %arg4[%dma_wait3A_72, %dma_wait3A_73] : memref<2000000x64xf32, #tpu.memory_space<hbm>> -> memref<128x64xf32, #tpu.memory_space<hbm>>
    %dma_wait3A_75 = arith.constant 0 : i32
    %dma_wait3A_76 = arith.constant 0 : i32
    %dma_wait3A_77 = tpu.memref_slice %arg4[%dma_wait3A_75, %dma_wait3A_76] : memref<2000000x64xf32, #tpu.memory_space<hbm>> -> memref<128x64xf32, #tpu.memory_space<hbm>>
    tpu.wait_dma2 semaphore(%arg24 : memref<!tpu.dma_semaphore, #tpu.memory_space<semaphore_mem>>) src(%arg11 : memref<128x64xf32, #tpu.memory_space<vmem>>) dst(%dma_wait3A_77 : memref<128x64xf32, #tpu.memory_space<hbm>>)
    %dma_wait3A_78 = arith.constant 0 : i32
    %dma_wait3A_79 = arith.constant 0 : i32
    %dma_wait3A_80 = tpu.memref_slice %arg4[%dma_wait3A_78, %dma_wait3A_79] : memref<2000000x64xf32, #tpu.memory_space<hbm>> -> memref<128x64xf32, #tpu.memory_space<hbm>>
    %dma_wait3A_81 = arith.constant 0 : i32
    %dma_wait3A_82 = arith.constant 0 : i32
    %dma_wait3A_83 = tpu.memref_slice %arg4[%dma_wait3A_81, %dma_wait3A_82] : memref<2000000x64xf32, #tpu.memory_space<hbm>> -> memref<128x64xf32, #tpu.memory_space<hbm>>
    tpu.wait_dma2 semaphore(%arg25 : memref<!tpu.dma_semaphore, #tpu.memory_space<semaphore_mem>>) src(%arg12 : memref<128x64xf32, #tpu.memory_space<vmem>>) dst(%dma_wait3A_83 : memref<128x64xf32, #tpu.memory_space<hbm>>)
    return
  }
}

</mosaic_0001>

<sc_bundles>
// kernel: _gather.3.cloned.1.call-start
scs
__scs_entry_jumppad:
0x0: {  	(pc) =	sbr.rel $0x88, $3  }
0x1: {  	(tag) =	ssettag $0x0;
	lr =	simm.s32 $0x1  }
0x2: {  	[smem:$0x3F9F] =	sst lr;
	_ =	strace $0xD0000000  }
0x3: {  	_ = 	snop  }
0x4: {  	_ = 	snop  }
0x5: {  	_ = 	snop  }
0x6: {  	_ = 	snop  }
0x7: {  	_ = 	snop  }
__scs_overlays_trampoline_lowered:
0x8: {  	[smem:$0x3FAE] =	sst s0  }
0x9: {  	[smem:$0x3FAF] =	sst s1  }
0xa: {  	[smem:$0x3FB0] =	sst s2  }
0xb: {  	[smem:$0x3FB1] =	sst s3  }
0xc: {  	[smem:$0x3FB2] =	sst s4  }
0xd: {  	[smem:$0x3FB3] =	sst s5  }
0xe: {  	[smem:$0x3FB4] =	sst s6  }
0xf: {  	[smem:$0x3FB5] =	sst s7  }
0x10: {  	[smem:$0x3FB6] =	sst s8  }
0x11: {  	[smem:$0x3FB7] =	sst s9;
	s0 =	simm.s32 @!p0 $0x0  }
0x12: {  	s1 =	sld [smem:$0x3F9D];
	s0 =	simm.s32 @p0 $0x1  }
0x13: {  	[smem:$0x3FB8] =	sst s0;
	s0 =	simm.s32 @!p1 $0x0  }
0x14: {  	s2 =	sld [smem:$0x3F9C];
	s0 =	simm.s32 @p1 $0x1  }
0x15: {  	[smem:$0x3FB9] =	sst s0;
	s0 =	simm.s32 @!p2 $0x0  }
0x16: {  	s3 =	sld [smem:$0x3FDB];
	s0 =	simm.s32 @p2 $0x1  }
0x17: {  	s4 =	simm.s32 $0x1BF5;
	[smem:$0x3FBB] =	sst s0  }
0x18: {  	s0 =	sld [smem:$0x3F9E];
	_ =	swait.ge [sflag:s4], $0x0  }
0x19: {  	s7 =	sld [smem:$0x3F9F]  }
0x1a: {  	s8 =	sadd.s32 $0xFFFFE003, lr  }
0x1b: {  	s9 =	sadd.s32 $0xFFFFFEF7, lr;
	s5 =	simm.s32 $0xFFFFFFFF;
	p2 =	slt.u32 s8, $0xFFFFF086  }
0x1c: {  	p1 =	slt.u32 s9, $0xF7A;
	s5 =	simm.s32 @!p2 $0x0  }
0x1d: {  	s5 =	simm.s32 @p1 $0x1;
	p0 =	seq.s32 s7, s2  }
0x1e: {  	s7 =	smul.u32 @!p0 $0xF7A, s2;
	p2 =	seq.s32 @!p0 s5, $0x0  }
0x1f: {  	s9 =	smul.u32 $0xF7A, s1;
	s8 =	simm.s32 @!p0 $0x1BF5;
	p2 =	por !p2, p0  }
0x20: {  	[sflag:s8] =	ssyncset.s32 @!p0 $0xFFFFF086;
	s6 =	sadd.s32 @!p0 s3, s7;
	s7 =	simm.s32 @!p0 $0x108  }
0x21: {  	s3 =	sadd.s32 s3, s9;
	s6 =	sadd.s32 @!p0 $0x88, s6;
	s7 =	simm.s32 @p2 $0x1082  }
0x22: {  	[simem:s7], [sflag:s8] =	dma.local @!p0 [hbm:s6], $0xF7A  }
0x23: {  	s9 =	sor.u32 $0xD0000000, s2;
	s6 =	simm.s32 $0x108;
	_ =	swait.ge @!p0 [sflag:s8], $0x0  }
0x24: {  	s3 =	sadd.s32 $0x88, s3;
	s6 =	simm.s32 @!p1 $0x1082;
	[sflag:s4] =	ssyncset.s32 $0xFFFFF086  }
0x25: {  	[simem:s6], [sflag:s4] =	dma.local [hbm:s3], $0xF7A  }
0x26: {  	[smem:$0x3F9F] =	sst s1;
	(tag) =	ssettag s2;
	_ =	strace s9  }
0x27: {  	s1 =	sld [smem:$0x3FAF]  }
0x28: {  	s2 =	sld [smem:$0x3FB0]  }
0x29: {  	s4 =	sld [smem:$0x3FB2]  }
0x2a: {  	p0 =	seq.s32 s5, $0x0;
	s5 =	sld [smem:$0x3FB3]  }
0x2b: {  	s6 =	sld [smem:$0x3FB4]  }
0x2c: {  	s7 =	sld [smem:$0x3FB5]  }
0x2d: {  	s3 =	simm.s32 $0x108;
	s8 =	sld [smem:$0x3FB6]  }
0x2e: {  	s3 =	simm.s32 @!p0 $0x1082;
	s9 =	sld [smem:$0x3FB7]  }
0x2f: {  	lr =	sadd.s32 s0, s3;
	s0 =	sld [smem:$0x3FAE]  }
0x30: {  	s3 =	sld [smem:$0x3FB1]  }
0x31: {  	[smem:$0x3FBA] =	sst s10  }
0x32: {  	s10 =	sld [smem:$0x3FB8];
	_ =	sdelay $0x3  }
0x33: {  	p0 =	seq.s32 s10, $0x1;
	s10 =	sld [smem:$0x3FBA];
	_ =	sdelay $0x3  }
0x34: {  	[smem:$0x3FBA] =	sst s10  }
0x35: {  	s10 =	sld [smem:$0x3FB9];
	_ =	sdelay $0x3  }
0x36: {  	p1 =	seq.s32 s10, $0x1;
	s10 =	sld [smem:$0x3FBA];
	_ =	sdelay $0x3  }
0x37: {  	[smem:$0x3FBA] =	sst s10  }
0x38: {  	s10 =	sld [smem:$0x3FBB]  }
0x39: {  	_ = 	snop;
	(pc) =	sbr.ind lr, $3  }
0x3a: {  	_ = 	snop  }
0x3b: {  	_ = 	snop  }
0x3c: {  	p2 =	seq.s32 s10, $0x1;
	s10 =	sld [smem:$0x3FBA]  }
0x3d: {  	_ =	shalt  }
0x3e: {  	_ =	shalt  }
0x3f: {  	_ =	shalt  }
0x40: {  	_ =	shalt  }
0x41: {  	_ =	shalt  }
0x42: {  	_ =	shalt  }
0x43: {  	_ =	shalt  }
0x44: {  	_ =	shalt  }
0x45: {  	_ =	shalt  }
0x46: {  	_ =	shalt  }
0x47: {  	_ =	shalt  }
0x48: {  	_ =	shalt  }
0x49: {  	_ =	shalt  }
0x4a: {  	_ =	shalt  }
0x4b: {  	_ =	shalt  }
0x4c: {  	_ =	shalt  }
0x4d: {  	_ =	shalt  }
0x4e: {  	_ =	shalt  }
0x4f: {  	_ =	shalt  }
0x50: {  	_ =	shalt  }
0x51: {  	_ =	shalt  }
0x52: {  	_ =	shalt  }
0x53: {  	_ =	shalt  }
0x54: {  	_ =	shalt  }
0x55: {  	_ =	shalt  }
0x56: {  	_ =	shalt  }
0x57: {  	_ =	shalt  }
0x58: {  	_ =	shalt  }
0x59: {  	_ =	shalt  }
0x5a: {  	_ =	shalt  }
0x5b: {  	_ =	shalt  }
0x5c: {  	_ =	shalt  }
0x5d: {  	_ =	shalt  }
0x5e: {  	_ =	shalt  }
0x5f: {  	_ =	shalt  }
0x60: {  	_ =	shalt  }
0x61: {  	_ =	shalt  }
0x62: {  	_ =	shalt  }
0x63: {  	_ =	shalt  }
0x64: {  	_ =	shalt  }
0x65: {  	_ =	shalt  }
0x66: {  	_ =	shalt  }
0x67: {  	_ =	shalt  }
0x68: {  	_ =	shalt  }
0x69: {  	_ =	shalt  }
0x6a: {  	_ =	shalt  }
0x6b: {  	_ =	shalt  }
0x6c: {  	_ =	shalt  }
0x6d: {  	_ =	shalt  }
0x6e: {  	_ =	shalt  }
0x6f: {  	_ =	shalt  }
0x70: {  	_ =	shalt  }
0x71: {  	_ =	shalt  }
0x72: {  	_ =	shalt  }
0x73: {  	_ =	shalt  }
0x74: {  	_ =	shalt  }
0x75: {  	_ =	shalt  }
0x76: {  	_ =	shalt  }
0x77: {  	_ =	shalt  }
0x78: {  	_ =	shalt  }
0x79: {  	_ =	shalt  }
0x7a: {  	_ =	shalt  }
0x7b: {  	_ =	shalt  }
0x7c: {  	_ =	shalt  }
0x7d: {  	_ =	shalt  }
0x7e: {  	_ =	shalt  }
0x7f: {  	_ =	shalt  }
0x80: {  	_ =	shalt  }
0x81: {  	_ =	shalt  }
0x82: {  	_ =	shalt  }
0x83: {  	_ =	shalt  }
0x84: {  	_ =	shalt  }
0x85: {  	_ =	shalt  }
0x86: {  	_ =	shalt  }
0x87: {  	_ =	shalt  }
.Lfunc_end0:
.L_simem_size_0:
called_computation_lowered:
.L_overlay_start_0:
0x88: {  	s2 =	sld [smem:$0x3FD9]  }
0x89: {  	s3 =	sld [smem:$0x3FFE];
	_ =	sdelay $0x1  }
0x8a: {  	s1 =	srdreg.scid  }
0x8b: {  	s0 =	sand.u32 $0x1, s1  }
0x8c: {  	s17 =	sshll.u32 s0, $0xA;
	s2 =	sadd.s32 s3, s2  }
0x8d: {  	s2 =	sadd.s32 s2, s17  }
0x8e: {  	[smem:$0x3FC6] =	sst s2  }
0x8f: {  	_ = 	snop  }
0x90: {  	s2 =	sld [smem:$0x3FC9]  }
0x91: {  	s18 =	sld [smem:$0x3FC8];
	(tm) =	ssettm $0x1  }
0x92: {  	s4 =	sld [smem:$0x3FFB];
	_ =	sdelay $0x3  }
0x93: {  	_ =	strace s4  }
0x94: {  	s4 =	sld [smem:$0x3FFC];
	_ =	sdelay $0x3  }
0x95: {  	_ =	strace s4  }
0x96: {  	s4 =	sld [smem:$0x3FFD];
	_ =	sdelay $0x3  }
0x97: {  	_ =	strace s4  }
0x98: {  	_ =	strace $0x8FFFFFFF  }
0x99: {  	s19 =	sld [smem:$0x3FDB];
	_ =	sdelay $0x1  }
0x9a: {  	s5 =	simm.s32 $_scs_section_size  }
0x9b: {  	s6 =	simm.s32 $_size__tile_overlayer_lowered;
	s7 =	simm.s32 $_tile_overlayer_lowered  }
0x9c: {  	s22 =	simm.s32 $0x1BFF;
	s21 =	sshll.u32 s7, $0x1;
	s4 =	sadd.s32 s5, s19  }
0x9d: {  	s8 =	simm.s32 $0x0;
	s20 =	sshll.u32 s6, $0x1;
	s6 =	sadd.s32 s21, s4  }
0x9e: {  	[timem:s8], [sflag:s22] =	dma.local [hbm:s6], s20  }
0x9f: {  	_ =	swait.ge [sflag:s22], s20  }
0xa0: {  	s5 =	ssub.s32 $0x0, s20;
	[sflag:s22] =	ssyncset.done $0x0  }
0xa1: {  	[sflag:s22] =	ssyncadd.s32 s5;
	_ =	sdelay $0x1  }
0xa2: {  	s23 =	simm.s32 $0x1B8B  }
0xa3: {  	_ =	swait.ge [sflag:s23], $0x1  }
0xa4: {  	[sflag:s23] =	ssyncset.done $0x0  }
0xa5: {  	s25 =	simm.s32 $0x1B8E;
	s24 =	sld [smem:$0x3FFE];
	[sflag:s23] =	ssyncadd.s32 $0xFFFFFFFF  }
0xa6: {  	s26 =	simm.s32 $execute0_lowered;
	[smem:$0x3FD2] =	sst s25  }
0xa7: {  	s6 =	sshll.u32 s26, $0x1;
	_ =	strace $0x80000046;
	[dreg:$0x1] =	wrdreg $0xFFFFFFFF  }
0xa8: {  	s28 =	simm.s32 $_size_execute0_lowered;
	s4 =	sadd.s32 s4, s6;
	[dreg:$0x0] =	wrdreg $0x0  }
0xa9: {  	s6 =	sshll.u32 s28, $0x1;
	[dreg:$0x2] =	wrdreg s4  }
0xaa: {  	[dreg:$0x3] =	wrdreg s6  }
0xab: {  	[dreg:$0x4] =	wrdreg $0xC0  }
0xac: {  	_ =	task [dreg:s8], $0x5FFFF  }
0xad: {  	[dreg:$0x1] =	wrdreg $0xFFFFFFFF  }
0xae: {  	[dreg:$0x0] =	wrdreg $0x60  }
0xaf: {  	[dreg:$0x2] =	wrdreg s2  }
0xb0: {  	[dreg:$0x3] =	wrdreg s18  }
0xb1: {  	[dreg:$0x4] =	wrdreg s24  }
0xb2: {  	[dreg:$0x5] =	wrdreg $0x102000  }
0xb3: {  	[dreg:$0x6] =	wrdreg $0x9  }
0xb4: {  	_ =	task.clear_ibuf [dreg:s8], $0x7FFFF;
	_ =	strace $0x90000046  }
0xb5: {  	s29 =	simm.s32 $0x9;
	_ =	strace $0x80000048  }
0xb6: {  	_ =	swait.ge [sflag:s29], $0x1  }
0xb7: {  	[sflag:s29] =	ssyncadd.s32 $0xFFFFFFFF  }
0xb8: {  	_ =	strace $0x90000048  }
0xb9: {  	_ =	sfence  }
0xba: {  	s30 =	sld [smem:$0x0];
	_ =	sdelay $0x2  }
0xbb: {  	s31 =	sshll.u32 s1, $0xD;
	s1 =	sshrl.u32 s1, $0x2  }
0xbc: {  	s3 =	sand.u32 $0x4000, s31;
	s1 =	sadd.s32 s1, s30  }
0xbd: {  	s0 =	sor.u32 s3, s0;
	s1 =	sshll.u32 s1, $0x11  }
0xbe: {  	s0 =	sor.u32 s1, s0  }
0xbf: {  	s0 =	sadd.s32 $0x8F2B, s0  }
0xc0: {  	[sflag:s0] =	ssyncadd.remote.s32 $0x1  }
0xc1: {  	_ =	sfence.sel $0xFFFF  }
0xc2: {  	[dreg:$0x0] =	wrdreg $0xFFFFFFFF;
	(pc) =	sbr.abs _section_cstart, $3  }
0xc3: {  	[dreg:$0x1] =	wrdreg $0xFFFFFFFF  }
0xc4: {  	_ =	task.clear_ibuf [dreg:s8], $0x2FFFF;
	_ =	strace $0x9FFFFFFF  }
0xc5: {  	(tm) =	ssettm $0x7FFFFFFF  }
tec
execute0_lowered:
.L_overlay_start_1:
0x0: {  	(tag) =	ssettag $0x1  }
0x1: {  	s0 =	rddreg [dreg:$0x0]  }
0x2: {  	s1 =	rddreg [dreg:$0x2];
	s3 =	srdreg.scid  }
0x3: {  	s4 =	stileid.u32;
	s2 =	rddreg [dreg:$0x3];
	s17 =	simm.s32 $0x80  }
0x4: {  	s18 =	simm.s32 $0x100;
	s19 =	simm.s32 $0x180;
	s28 =	simm.s32 $0x6  }
0x5: {  	s29 =	simm.s32 $0x4200;
	s30 =	simm.s32 $0x7;
	s31 =	simm.s32 $0x8  }
0x6: {  	s5 =	sand.u32 $0x1, s3;
	s6 =	sshll.u32 s4, $0x1;
	s3 =	simm.s32 $0x0  }
0x7: {  	s1 =	sadd.s32 $0x400, s1;
	s9 =	smul.u32 $0x1E850, s4;
	s6 =	sor.u32 s5, s6  }
0x8: {  	p0 =	sne.s32 s4, $0x0;
	s7 =	ssub.s32 $0x2, s5;
	s6 =	smul.u32 $0xF428, s6  }
0x9: {  	[smem:$0x7FF] =	sst s3;
	s5 =	smul.u32 $0xF428, s5;
	s10 =	sshrl.u32 s7, $0x1  }
0xa: {  	_ =	strace $0x80000047;
	s7 =	ssub.s32 s7, s10;
	s6 =	smin.u32 s6, $0x1D8C80  }
0xb: {  	s5 =	sadd.s32 s5, s9;
	s7 =	smax.u32 s7, $0x1;
	s8 =	sshrl.u32 s6, $0x3  }
0xc: {  	s5 =	smin.u32 s5, $0x1D8C80;
	[dreg:$0xb] =	wrdreg s7;
	s8 =	sadd.s32 s0, s8  }
0xd: {  	s6 =	sshll.u32 s6, $0x4;
	s20 =	sadd.s32 $0x10, s8;
	[dreg:$0x5] =	wrdreg s8  }
0xe: {  	s23 =	sshll.u32 s5, $0x4;
	s21 =	sadd.s32 $0x20, s8;
	[dreg:$0x6] =	wrdreg s20  }
0xf: {  	s6 =	sadd.s32 s6, s1;
	s8 =	sadd.s32 $0x30, s8;
	[dreg:$0x7] =	wrdreg s21  }
0x10: {  	s5 =	sshrl.u32 s5, $0x3;
	s22 =	sadd.s32 $0xF7000, s6;
	[dreg:$0x8] =	wrdreg s8  }
0x11: {  	s0 =	sadd.s32 s0, s5;
	s6 =	sadd.s32 $0xF7800, s6;
	[dreg:$0x9] =	wrdreg s22  }
0x12: {  	s11 =	sadd.s32 s23, s1;
	s24 =	sadd.s32 $0x50, s0;
	[dreg:$0xa] =	wrdreg s6  }
0x13: {  	s23 =	simm.s32 $0x200;
	s25 =	sadd.s32 $0x40, s0;
	[dreg:$0xc] =	wrdreg s24  }
0x14: {  	s1 =	simm.s32 $0x9;
	s26 =	sadd.s32 $0x30, s0;
	[dreg:$0xd] =	wrdreg s25  }
.Ltmp0:
0x15: {  	s0 =	sadd.s32 $0x20, s0;
	[dreg:$0xe] =	wrdreg s26;
	(pc) =	sbr.rel .LBB2_1-.Ltmp0, $4  }
0x16: {  	s5 =	simm.s32 $0xB;
	[dreg:$0xf] =	wrdreg s0;
	s0 =	sshrl.u32 @!p0 s2, $0x3  }
0x17: {  	s20 =	simm.s32 $0x1;
	s21 =	simm.s32 $0x8200;
	s22 =	simm.s32 $0x5  }
0x18: {  	s24 =	simm.s32 $0x4;
	s25 =	simm.s32 $0xC;
	s26 =	simm.s32 $0xC200  }
0x19: {  	s6 =	simm.s32 $0x0;
	[dreg:$0x10] =	wrdreg s0;
	s0 =	simm.s32 $0xA  }
.LBB2_8:
0x1a: {  	_ =	swait.ge [sflag:s30], $0x2000  }
0x1b: {  	[sflag:s30] =	ssyncset.done $0x0  }
0x1c: {  	s4 =	rddreg [dreg:$0x9];
	[sflag:s30] =	ssyncadd.s32 $0xFFFFE000  }
0x1d: {  	[hbm4b:s4+s3] =	stream.linear.scatter [tilespmem:s21], [sflag:$0xB], $0x4000, $0x38;
	[tilespmem:$0x102D0] =	vst v63  }
0x1e: {  	_ =	swait.ge [sflag:s31], $0x2000  }
0x1f: {  	[sflag:s31] =	ssyncset.done $0x0  }
0x20: {  	s15 =	rddreg [dreg:$0xa];
	[sflag:s31] =	ssyncadd.s32 $0xFFFFE000  }
0x21: {  	[hbm4b:s15+s3] =	stream.linear.scatter [tilespmem:s26], [sflag:$0xC], $0x4000, $0x38;
	[tilespmem:$0x102D0] =	vst v63  }
0x22: {  	_ =	swait.ge [sflag:s1], $0x4000  }
0x23: {  	[sflag:s1] =	ssyncset.done $0x0  }
0x24: {  	[sflag:s1] =	ssyncadd.s32 $0xFFFFC000  }
0x25: {  	_ =	swait.ge [sflag:s0], $0x4000  }
0x26: {  	[sflag:s0] =	ssyncset.done $0x0  }
0x27: {  	[sflag:s0] =	ssyncadd.s32 $0xFFFFC000  }
0x28: {  	_ =	swait.ge [sflag:s5], $0x4000  }
0x29: {  	[sflag:s5] =	ssyncset.done $0x0  }
0x2a: {  	[sflag:s5] =	ssyncadd.s32 $0xFFFFC000  }
0x2b: {  	_ =	swait.ge [sflag:s25], $0x4000  }
0x2c: {  	s6 =	sadd.s32 $0x1, s6;
	s16 =	rddreg [dreg:$0xb]  }
0x2d: {  	p1 =	sne.s32 s6, s16  }
.Ltmp1:
0x2e: {  	_ = 	snop;
	(pc) =	sbr.rel @!p1 .LBB2_9-.Ltmp1, $3  }
0x2f: {  	_ =	sdelay $0x1  }
0x30: {  	[sflag:s25] =	ssyncset.done $0x0  }
0x31: {  	[sflag:s25] =	ssyncadd.s32 $0xFFFFC000  }
.LBB2_1:
0x32: {  	s7 =	rddreg [dreg:$0x1]  }
0x33: {  	s4 =	simm.s32 @!p0 $0x1C0D;
	s8 =	rddreg [dreg:$0x10]  }
0x34: {  	[spmem:s8], [sflag:s4] =	dma.local @!p0 [hbm:s7], $0x340  }
0x35: {  	s4 =	simm.s32 @!p0 $0xD  }
0x36: {  	_ =	swait.ge @!p0 [sflag:s4], $0x340  }
0x37: {  	[sflag:s4] =	ssyncset.done @!p0 $0x0  }
0x38: {  	[sflag:s4] =	ssyncadd.s32 @!p0 $0xFFFFFCC0  }
0x39: {  	[bflag:$0x0] =	sbarrier.arrive $0xFFFF  }
0x3a: {  	s13 =	rddreg [dreg:$0x5]  }
0x3b: {  	s14 =	rddreg [dreg:$0x6]  }
0x3c: {  	s15 =	rddreg [dreg:$0x7]  }
0x3d: {  	s16 =	rddreg [dreg:$0x8]  }
0x3e: {  	s12 =	rddreg [dreg:$0xc]  }
0x3f: {  	[tilespmem:s3], [sflag:$0x1] =	stream.linear.gather [hbm4b:s13+s3], $0x80, $0x38;
	[tilespmem:$0x102D0] =	vst v63  }
0x40: {  	s13 =	rddreg [dreg:$0xd]  }
0x41: {  	[tilespmem:s17], [sflag:$0x2] =	stream.linear.gather [hbm4b:s14+s3], $0x80, $0x38;
	[tilespmem:$0x102D0] =	vst v63  }
0x42: {  	s14 =	rddreg [dreg:$0xe]  }
0x43: {  	[tilespmem:s18], [sflag:$0x3] =	stream.linear.gather [hbm4b:s15+s3], $0x80, $0x38;
	[tilespmem:$0x102D0] =	vst v63  }
0x44: {  	s4 =	simm.s32 $0x0;
	s15 =	rddreg [dreg:$0xf]  }
0x45: {  	[tilespmem:s19], [sflag:$0x4] =	stream.linear.gather [hbm4b:s16+s3], $0x80, $0x38;
	[tilespmem:$0x102D0] =	vst v63  }
.LBB2_2:
0x46: {  	_ =	swait.ge [sflag:s20], $0x80  }
0x47: {  	p1 =	sne.s32 s4, $0x0;
	[sflag:s20] =	ssyncset.done $0x0  }
0x48: {  	s10 =	simm.s32 @p1 $0x9;
	[sflag:s20] =	ssyncadd.s32 $0xFFFFFF80  }
0x49: {  	_ =	swait.ge @p1 [sflag:s10], $0x4000  }
0x4a: {  	s9 =	simm.s32 @p1 $0x0;
	[sflag:s10] =	ssyncset.done @p1 $0x0  }
0x4b: {  	s8 =	simm.s32 @p1 $0x200;
	[sflag:s10] =	ssyncadd.s32 @p1 $0xFFFFC000;
	s10 =	simm.s32 @p1 $0x80  }
0x4c: {  	[tilespmem:s8], [sflag:$0x5] =	stream.indirect.gather @p1 [spmem:s2], $0x40, s9, s10, $0xb8;
	[tilespmem:$0x102D0] =	vst v63  }
0x4d: {  	s8 =	simm.s32 @p1 $0x7  }
0x4e: {  	_ =	swait.ge @p1 [sflag:s8], $0x2000  }
0x4f: {  	s16 =	sadd.s32 @p1 s4, s11;
	[sflag:s8] =	ssyncset.done @p1 $0x0  }
0x50: {  	s7 =	simm.s32 @p1 $0x8200;
	[sflag:s8] =	ssyncadd.s32 @p1 $0xFFFFE000;
	s8 =	sadd.s32 @p1 $0xFFFFF000, s16  }
0x51: {  	[hbm4b:s8+s9] =	stream.linear.scatter @p1 [tilespmem:s7], [sflag:$0xB], $0x4000, $0x38;
	[tilespmem:$0x102D0] =	vst v63  }
0x52: {  	s7 =	simm.s32 @p1 $0x100  }
0x53: {  	[tilespmem:s7], [sflag:$0x3] =	stream.linear.gather @p1 [hbm4b:s15+s9], $0x80, $0x38;
	[tilespmem:$0x102D0] =	vst v63  }
0x54: {  	s7 =	simm.s32 @p1 $0x2  }
0x55: {  	_ =	swait.ge @p1 [sflag:s7], $0x80  }
0x56: {  	[sflag:s7] =	ssyncset.done @p1 $0x0  }
0x57: {  	[sflag:s7] =	ssyncadd.s32 @p1 $0xFFFFFF80;
	s7 =	simm.s32 @p1 $0xA  }
0x58: {  	_ =	swait.ge @p1 [sflag:s7], $0x4000  }
0x59: {  	[sflag:s7] =	ssyncset.done @p1 $0x0  }
0x5a: {  	[sflag:s7] =	ssyncadd.s32 @p1 $0xFFFFC000;
	s7 =	simm.s32 @p1 $0x4200  }
0x5b: {  	[tilespmem:s7], [sflag:$0x6] =	stream.indirect.gather @p1 [spmem:s2], $0x40, s10, s10, $0xb8;
	[tilespmem:$0x102D0] =	vst v63  }
0x5c: {  	s7 =	simm.s32 @p1 $0x8  }
0x5d: {  	_ =	swait.ge @p1 [sflag:s7], $0x2000  }
0x5e: {  	[sflag:s7] =	ssyncset.done @p1 $0x0  }
0x5f: {  	s8 =	simm.s32 @p1 $0xC200;
	[sflag:s7] =	ssyncadd.s32 @p1 $0xFFFFE000;
	s7 =	sadd.s32 @p1 $0xFFFFF800, s16  }
0x60: {  	[hbm4b:s7+s9] =	stream.linear.scatter @p1 [tilespmem:s8], [sflag:$0xC], $0x4000, $0x38;
	[tilespmem:$0x102D0] =	vst v63  }
0x61: {  	s7 =	simm.s32 @p1 $0x180  }
0x62: {  	[tilespmem:s7], [sflag:$0x4] =	stream.linear.gather @p1 [hbm4b:s14+s9], $0x80, $0x38;
	[tilespmem:$0x102D0] =	vst v63  }
0x63: {  	s7 =	simm.s32 @p1 $0x3  }
0x64: {  	_ =	swait.ge @p1 [sflag:s7], $0x80  }
0x65: {  	[sflag:s7] =	ssyncset.done @p1 $0x0  }
0x66: {  	[sflag:s7] =	ssyncadd.s32 @p1 $0xFFFFFF80;
	s7 =	simm.s32 @p1 $0xB  }
0x67: {  	_ =	swait.ge @p1 [sflag:s7], $0x4000  }
0x68: {  	s8 =	simm.s32 @!p1 $0x0;
	[sflag:s7] =	ssyncset.done @p1 $0x0  }
0x69: {  	s9 =	simm.s32 @!p1 $0x200;
	[sflag:s7] =	ssyncadd.s32 @p1 $0xFFFFC000;
	s7 =	simm.s32 @!p1 $0x80  }
0x6a: {  	[tilespmem:s9], [sflag:$0x5] =	stream.indirect.gather @!p1 [spmem:s2], $0x40, s8, s7, $0xb8;
	[tilespmem:$0x102D0] =	vst v63  }
0x6b: {  	s8 =	simm.s32 @!p1 $0x2  }
0x6c: {  	_ =	swait.ge @!p1 [sflag:s8], $0x80  }
0x6d: {  	[sflag:s8] =	ssyncset.done @!p1 $0x0  }
0x6e: {  	[sflag:s8] =	ssyncadd.s32 @!p1 $0xFFFFFF80;
	s8 =	simm.s32 @!p1 $0x4200  }
0x6f: {  	[tilespmem:s8], [sflag:$0x6] =	stream.indirect.gather @!p1 [spmem:s2], $0x40, s7, s7, $0xb8;
	[tilespmem:$0x102D0] =	vst v63  }
0x70: {  	s7 =	simm.s32 @!p1 $0x3  }
0x71: {  	_ =	swait.ge @!p1 [sflag:s7], $0x80  }
0x72: {  	[sflag:s7] =	ssyncset.done @!p1 $0x0  }
0x73: {  	[sflag:s7] =	ssyncadd.s32 @!p1 $0xFFFFFF80;
	p1 =	sne.s32 s4, $0xF6000  }
0x74: {  	[tilespmem:s21], [sflag:$0x7] =	stream.indirect.gather [spmem:s2], $0x40, s18, s17, $0xb8;
	[tilespmem:$0x102D0] =	vst v63  }
.Ltmp2:
0x75: {  	_ = 	snop;
	(pc) =	sbr.rel @p1 .LBB2_4-.Ltmp2, $4  }
0x76: {  	_ =	swait.ge [sflag:s22], $0x2000  }
0x77: {  	[sflag:s22] =	ssyncset.done $0x0  }
0x78: {  	s10 =	sadd.s32 s4, s11;
	[sflag:s22] =	ssyncadd.s32 $0xFFFFE000  }
0x79: {  	[hbm4b:s10+s3] =	stream.linear.scatter [tilespmem:s23], [sflag:$0x9], $0x4000, $0x38;
	[tilespmem:$0x102D0] =	vst v63  }
.Ltmp3:
0x7a: {  	(pc) =	sbr.rel .LBB2_5-.Ltmp3, $4  }
0x7b: {  	_ = 	snop  }
0x7c: {  	_ =	swait.ge [sflag:s24], $0x80  }
0x7d: {  	[sflag:s24] =	ssyncset.done $0x0  }
0x7e: {  	[sflag:s24] =	ssyncadd.s32 $0xFFFFFF80  }
.LBB2_4:
0x7f: {  	p1 =	seq.s32 s4, $0x0  }
.Ltmp4:
0x80: {  	_ = 	snop;
	(pc) =	sbr.rel @p1 .LBB2_6-.Ltmp4, $4  }
0x81: {  	[tilespmem:s3], [sflag:$0x1] =	stream.linear.gather [hbm4b:s13+s3], $0x80, $0x38;
	[tilespmem:$0x102D0] =	vst v63  }
0x82: {  	_ =	swait.ge [sflag:s24], $0x80  }
0x83: {  	[sflag:s24] =	ssyncset.done $0x0  }
0x84: {  	[sflag:s24] =	ssyncadd.s32 $0xFFFFFF80  }
.LBB2_5:
0x85: {  	_ =	swait.ge [sflag:s25], $0x4000  }
0x86: {  	[sflag:s25] =	ssyncset.done $0x0  }
0x87: {  	[sflag:s25] =	ssyncadd.s32 $0xFFFFC000  }
.LBB2_6:
0x88: {  	[tilespmem:s26], [sflag:$0x8] =	stream.indirect.gather [spmem:s2], $0x40, s19, s17, $0xb8;
	[tilespmem:$0x102D0] =	vst v63  }
0x89: {  	p1 =	seq.s32 s4, $0xF6000  }
.Ltmp5:
0x8a: {  	_ = 	snop;
	(pc) =	sbr.rel @p1 .LBB2_8-.Ltmp5, $4  }
0x8b: {  	_ =	swait.ge [sflag:s28], $0x2000  }
0x8c: {  	[sflag:s28] =	ssyncset.done $0x0  }
0x8d: {  	s7 =	sadd.s32 $0x800, s10;
	[sflag:s28] =	ssyncadd.s32 $0xFFFFE000  }
0x8e: {  	[hbm4b:s7+s3] =	stream.linear.scatter [tilespmem:s29], [sflag:$0xA], $0x4000, $0x38;
	[tilespmem:$0x102D0] =	vst v63  }
.Ltmp6:
0x8f: {  	(pc) =	sbr.rel .LBB2_2-.Ltmp6, $4  }
0x90: {  	_ = 	snop  }
0x91: {  	[tilespmem:s17], [sflag:$0x2] =	stream.linear.gather [hbm4b:s12+s3], $0x80, $0x38;
	[tilespmem:$0x102D0] =	vst v63  }
0x92: {  	s4 =	sadd.s32 $0x2000, s4;
	s12 =	sadd.s32 $0x40, s12  }
0x93: {  	s13 =	sadd.s32 $0x40, s13;
	s14 =	sadd.s32 $0x40, s14;
	s15 =	sadd.s32 $0x40, s15  }
.LBB2_9:
0x94: {  	_ =	sfence.sel $0x180000  }
0x95: {  	[bflag:$0x0] =	sbarrier.arrive $0xFFFF  }
0x96: {  	_ =	strace $0x90000047  }
0x97: {  	[bflag:$0x2] =	sbarrier.arrive $0xFFFF  }
0x98: {  	s0 =	rddreg [dreg:$0x4]  }
0x99: {  	s0 =	sadd.s32 @!p0 $0x100000, s0  }
0x9a: {  	[sflag:s0] =	ssyncadd.tile.s32 @!p0 $0x1;
	_ =	shalt  }
.Lfunc_end2:
_tile_overlayer_lowered:
.L_overlay_start_2:
0x9b: {  	(tag) =	ssettag $0x2  }
0x9c: {  	s0 =	rddreg [dreg:$0x0];
	s2 =	stileid.u32  }
0x9d: {  	s1 =	rddreg [dreg:$0x1];
	p0 =	sne.s32 s2, $0x0  }
0x9e: {  	s3 =	rddreg [dreg:$0x2];
	[bflag:$0x3] =	sbarrier.arrive $0xFFFF;
	s2 =	simm.s32 @!p0 $0x1C0D  }
0x9f: {  	[timem:s3], [sflag:s2] =	dma.local @!p0 [hbm:s0], s1  }
0xa0: {  	s0 =	simm.s32 @!p0 $0xD  }
0xa1: {  	_ =	swait.ge @!p0 [sflag:s0], s1  }
0xa2: {  	s1 =	ssub.s32 @!p0 $0x0, s1;
	[sflag:s0] =	ssyncset.done @!p0 $0x0  }
0xa3: {  	[sflag:s0] =	ssyncadd.s32 @!p0 s1  }
0xa4: {  	[bflag:$0x3] =	sbarrier.arrive $0xFFFF  }
0xa5: {  	_ =	shalt  }

</sc_bundles>
